<compile_context>
chip_gen: v7x
topology: tpu7x:2x2x1
jax: 0.10.2.dev20260603
libtpu: 0.0.44.dev20260713+nightly
codegen_flags: <defaults>
</compile_context>

<pallas_src>
import functools

import jax
import jax.numpy as jnp
from jax import lax
from jax.experimental import pallas as pl
from jax.experimental.pallas import tpu as pltpu
from jax.experimental.pallas import tpu_sc as plsc


def _gather_rows_sc(step_idx, label_idx, step_table, label_table):
    batch = step_idx.shape[0]
    embed = step_table.shape[1]
    info = plsc.get_sparse_core_info()
    num_cores = info.num_cores
    nw = info.num_cores * info.num_subcores
    b_per_w = batch // nw
    mesh = plsc.VectorSubcoreMesh(core_axis_name="c", subcore_axis_name="s")

    @functools.partial(
        pl.kernel,
        mesh=mesh,
        out_type=[
            jax.ShapeDtypeStruct((batch, embed), jnp.float32),
            jax.ShapeDtypeStruct((batch, embed), jnp.float32),
        ],
        scratch_types=[
            pltpu.VMEM((b_per_w,), jnp.int32),
            pltpu.VMEM((b_per_w, embed), jnp.float32),
            pltpu.VMEM((b_per_w,), jnp.int32),
            pltpu.VMEM((b_per_w, embed), jnp.float32),
            pltpu.SemaphoreType.DMA,
            pltpu.SemaphoreType.DMA,
            pltpu.SemaphoreType.DMA,
            pltpu.SemaphoreType.DMA,
            pltpu.SemaphoreType.DMA,
        ],
    )
    def gather_kernel(step_idx_hbm, label_idx_hbm, step_tab_hbm, label_tab_hbm,
                      srow_hbm, lrow_hbm,
                      sidx_v, srow_v, lidx_v, lrow_v,
                      isem1, isem2, ssem, lsem, osem):
        wid = lax.axis_index("s") * num_cores + lax.axis_index("c")
        base = wid * b_per_w
        icp1 = pltpu.async_copy(step_idx_hbm.at[pl.ds(base, b_per_w)], sidx_v, isem1)
        icp2 = pltpu.async_copy(label_idx_hbm.at[pl.ds(base, b_per_w)], lidx_v, isem2)
        icp1.wait()
        scp = pltpu.async_copy(step_tab_hbm.at[sidx_v], srow_v, ssem)
        icp2.wait()
        lcp = pltpu.async_copy(label_tab_hbm.at[lidx_v], lrow_v, lsem)
        scp.wait()
        ocp1 = pltpu.async_copy(srow_v, srow_hbm.at[pl.ds(base, b_per_w)], osem)
        lcp.wait()
        ocp2 = pltpu.async_copy(lrow_v, lrow_hbm.at[pl.ds(base, b_per_w)], osem)
        ocp1.wait()
        ocp2.wait()

    return gather_kernel(step_idx, label_idx, step_table, label_table)


def _add_body(x_ref, s_ref, l_ref, o_ref):
    emb = s_ref[...] + l_ref[...]
    o_ref[...] = x_ref[...] + emb[:, :, None]


def kernel(x, step, label, step_table, label_table):
    batch, embed, seq = x.shape
    srows, lrows = _gather_rows_sc(
        step.reshape(batch).astype(jnp.int32),
        label.reshape(batch).astype(jnp.int32),
        step_table, label_table)
    bt = 32
    return pl.pallas_call(
        _add_body,
        grid=(batch // bt,),
        in_specs=[
            pl.BlockSpec((bt, embed, seq), lambda i: (i, 0, 0)),
            pl.BlockSpec((bt, embed), lambda i: (i, 0)),
            pl.BlockSpec((bt, embed), lambda i: (i, 0)),
        ],
        out_specs=pl.BlockSpec((bt, embed, seq), lambda i: (i, 0, 0)),
        out_shape=jax.ShapeDtypeStruct((batch, embed, seq), jnp.float32),
    )(x, srows, lrows)

# --- scband reference (transcript-rebuilt; emitter-appended) ---
"""Pipeline reference for scband-unet-embedding-69389491634210 (READ-ONLY COPY).

The authoritative reference and input builder live on the scoring server;
editing this copy changes nothing except your own understanding.
"""

import jax, jax.numpy as jnp
import numpy as np

STEP_COUNT = 1000
LABEL_COUNT = 1000
EMBED_DIM = 128
BATCH = 1024
SEQ = 512


def setup_inputs(seed: int = 0) -> dict:
    key = jax.random.key(seed)
    k1, k2, k3, k4, k5 = jax.random.split(key, 5)
    x = jax.random.normal(k1, (BATCH, EMBED_DIM, SEQ), dtype=jnp.float32)
    step = jax.random.randint(k2, (BATCH, 1), 0, STEP_COUNT, dtype=jnp.int64 if jax.config.jax_enable_x64 else jnp.int32)
    label = jax.random.randint(k3, (BATCH, 1), 0, LABEL_COUNT, dtype=jnp.int64 if jax.config.jax_enable_x64 else jnp.int32)
    step_table = jax.random.normal(k4, (STEP_COUNT, EMBED_DIM), dtype=jnp.float32)
    label_table = jax.random.normal(k5, (LABEL_COUNT, EMBED_DIM), dtype=jnp.float32)
    return {"x": x, "step": step, "label": label, "step_table": step_table, "label_table": label_table}


def reference(x, step, label, step_table, label_table):
    # step_emb = Embedding(step).squeeze(1).unsqueeze(2) -> [B, D, 1]
    step_emb = jnp.take(step_table, step, axis=0)      # [B, 1, D]
    step_emb = jnp.squeeze(step_emb, axis=1)           # [B, D]
    step_emb = step_emb[:, :, None]                    # [B, D, 1]
    step_emb = jnp.tile(step_emb, (1, 1, x.shape[-1])) # [B, D, L]

    label_emb = jnp.take(label_table, label, axis=0)
    label_emb = jnp.squeeze(label_emb, axis=1)
    label_emb = label_emb[:, :, None]
    label_emb = jnp.tile(label_emb, (1, 1, x.shape[-1]))

    return x + step_emb + label_emb

if __name__ == "__main__":
    import jax
    _d = setup_inputs()
    print(jax.jit(kernel)(*tuple(_d.values())))

</pallas_src>

<mosaic_0001>
#map = affine_map<(d0, d1) -> (0)>
#map1 = affine_map<(d0, d1) -> (0, 0)>
module attributes {stable_mosaic.version = 14 : i64} {
  func.func @gather_kernel(%arg0: i32, %arg1: i32, %arg2: memref<1024xi32, #tpu.memory_space<hbm>>, %arg3: memref<1024xi32, #tpu.memory_space<hbm>>, %arg4: memref<1000x128xf32, #tpu.memory_space<hbm>>, %arg5: memref<1000x128xf32, #tpu.memory_space<hbm>>, %arg6: memref<1024x128xf32, #tpu.memory_space<hbm>>, %arg7: memref<1024x128xf32, #tpu.memory_space<hbm>>, %arg8: memref<32xi32, #tpu.memory_space<vmem>>, %arg9: memref<32x128xf32, #tpu.memory_space<vmem>>, %arg10: memref<32xi32, #tpu.memory_space<vmem>>, %arg11: memref<32x128xf32, #tpu.memory_space<vmem>>, %arg12: memref<!tpu.dma_semaphore, #tpu.memory_space<semaphore_mem>>, %arg13: memref<!tpu.dma_semaphore, #tpu.memory_space<semaphore_mem>>, %arg14: memref<!tpu.dma_semaphore, #tpu.memory_space<semaphore_mem>>, %arg15: memref<!tpu.dma_semaphore, #tpu.memory_space<semaphore_mem>>, %arg16: memref<!tpu.dma_semaphore, #tpu.memory_space<semaphore_mem>>) attributes {dimension_semantics = [#tpu.dimension_semantics<core_parallel>, #tpu.dimension_semantics<subcore_parallel>], iteration_bounds = array<i64: 2, 16>, scalar_prefetch = 0 : i64, scratch_operands = 9 : i64, tpu.core_type = #tpu.core_type<sc_vector_subcore>, window_params = [{transform_indices = #map}, {transform_indices = #map}, {transform_indices = #map1}, {transform_indices = #map1}, {transform_indices = #map1}, {transform_indices = #map1}]} {
    %mul3A = arith.constant 2 : i32
    %mul3A_0 = arith.muli %arg1, %mul3A : i32
    %add3A = arith.addi %mul3A_0, %arg0 : i32
    %mul3A_1 = arith.constant 32 : i32
    %mul3A_2 = arith.muli %add3A, %mul3A_1 : i32
    %dma_start3A = tpu.memref_slice %arg2[%mul3A_2] : memref<1024xi32, #tpu.memory_space<hbm>> -> memref<32xi32, #tpu.memory_space<hbm>>
    %dma_start3A_3 = tpu.memref_slice %arg2[%mul3A_2] : memref<1024xi32, #tpu.memory_space<hbm>> -> memref<32xi32, #tpu.memory_space<hbm>>
    tpu.enqueue_dma source(%dma_start3A_3 : memref<32xi32, #tpu.memory_space<hbm>>) target(%arg8 : memref<32xi32, #tpu.memory_space<vmem>>) target_semaphore(%arg12 : memref<!tpu.dma_semaphore, #tpu.memory_space<semaphore_mem>>)
    %dma_start3A_4 = tpu.memref_slice %arg3[%mul3A_2] : memref<1024xi32, #tpu.memory_space<hbm>> -> memref<32xi32, #tpu.memory_space<hbm>>
    %dma_start3A_5 = tpu.memref_slice %arg3[%mul3A_2] : memref<1024xi32, #tpu.memory_space<hbm>> -> memref<32xi32, #tpu.memory_space<hbm>>
    tpu.enqueue_dma source(%dma_start3A_5 : memref<32xi32, #tpu.memory_space<hbm>>) target(%arg10 : memref<32xi32, #tpu.memory_space<vmem>>) target_semaphore(%arg13 : memref<!tpu.dma_semaphore, #tpu.memory_space<semaphore_mem>>)
    %dma_wait3A = tpu.memref_slice %arg2[%mul3A_2] : memref<1024xi32, #tpu.memory_space<hbm>> -> memref<32xi32, #tpu.memory_space<hbm>>
    %dma_wait3A_6 = tpu.memref_slice %arg2[%mul3A_2] : memref<1024xi32, #tpu.memory_space<hbm>> -> memref<32xi32, #tpu.memory_space<hbm>>
    tpu.wait_dma2 semaphore(%arg12 : memref<!tpu.dma_semaphore, #tpu.memory_space<semaphore_mem>>) src(%dma_wait3A_6 : memref<32xi32, #tpu.memory_space<hbm>>) dst(%arg8 : memref<32xi32, #tpu.memory_space<vmem>>)
    %dma_start3A_7 = arith.constant 0 : i32
    %dma_start3A_8 = arith.constant 0 : i32
    %dma_start3A_9 = tpu.memref_slice %arg4[%dma_start3A_7, %dma_start3A_8] : memref<1000x128xf32, #tpu.memory_space<hbm>> -> memref<1000x128xf32, #tpu.memory_space<hbm>>
    tpu.enqueue_indirect_dma source(%dma_start3A_9 : memref<1000x128xf32, #tpu.memory_space<hbm>>) target(%arg9 : memref<32x128xf32, #tpu.memory_space<vmem>>) offsets(%arg8 : memref<32xi32, #tpu.memory_space<vmem>>) semaphore(%arg14 : memref<!tpu.dma_semaphore, #tpu.memory_space<semaphore_mem>>)
    %dma_wait3A_10 = tpu.memref_slice %arg3[%mul3A_2] : memref<1024xi32, #tpu.memory_space<hbm>> -> memref<32xi32, #tpu.memory_space<hbm>>
    %dma_wait3A_11 = tpu.memref_slice %arg3[%mul3A_2] : memref<1024xi32, #tpu.memory_space<hbm>> -> memref<32xi32, #tpu.memory_space<hbm>>
    tpu.wait_dma2 semaphore(%arg13 : memref<!tpu.dma_semaphore, #tpu.memory_space<semaphore_mem>>) src(%dma_wait3A_11 : memref<32xi32, #tpu.memory_space<hbm>>) dst(%arg10 : memref<32xi32, #tpu.memory_space<vmem>>)
    %dma_start3A_12 = arith.constant 0 : i32
    %dma_start3A_13 = arith.constant 0 : i32
    %dma_start3A_14 = tpu.memref_slice %arg5[%dma_start3A_12, %dma_start3A_13] : memref<1000x128xf32, #tpu.memory_space<hbm>> -> memref<1000x128xf32, #tpu.memory_space<hbm>>
    tpu.enqueue_indirect_dma source(%dma_start3A_14 : memref<1000x128xf32, #tpu.memory_space<hbm>>) target(%arg11 : memref<32x128xf32, #tpu.memory_space<vmem>>) offsets(%arg10 : memref<32xi32, #tpu.memory_space<vmem>>) semaphore(%arg15 : memref<!tpu.dma_semaphore, #tpu.memory_space<semaphore_mem>>)
    %dma_wait3A_15 = arith.constant 0 : i32
    %dma_wait3A_16 = arith.constant 0 : i32
    %dma_wait3A_17 = tpu.memref_slice %arg4[%dma_wait3A_15, %dma_wait3A_16] : memref<1000x128xf32, #tpu.memory_space<hbm>> -> memref<1000x128xf32, #tpu.memory_space<hbm>>
    tpu.wait_indirect_dma semaphore(%arg14 : memref<!tpu.dma_semaphore, #tpu.memory_space<semaphore_mem>>) src(%dma_wait3A_17 : memref<1000x128xf32, #tpu.memory_space<hbm>>) dst(%arg9 : memref<32x128xf32, #tpu.memory_space<vmem>>)
    %dma_start3A_18 = arith.constant 0 : i32
    %dma_start3A_19 = tpu.memref_slice %arg6[%mul3A_2, %dma_start3A_18] : memref<1024x128xf32, #tpu.memory_space<hbm>> -> memref<32x128xf32, #tpu.memory_space<hbm>>
    %dma_start3A_20 = arith.constant 0 : i32
    %dma_start3A_21 = tpu.memref_slice %arg6[%mul3A_2, %dma_start3A_20] : memref<1024x128xf32, #tpu.memory_space<hbm>> -> memref<32x128xf32, #tpu.memory_space<hbm>>
    tpu.enqueue_dma source(%arg9 : memref<32x128xf32, #tpu.memory_space<vmem>>) target(%dma_start3A_21 : memref<32x128xf32, #tpu.memory_space<hbm>>) target_semaphore(%arg16 : memref<!tpu.dma_semaphore, #tpu.memory_space<semaphore_mem>>)
    %dma_wait3A_22 = arith.constant 0 : i32
    %dma_wait3A_23 = arith.constant 0 : i32
    %dma_wait3A_24 = tpu.memref_slice %arg5[%dma_wait3A_22, %dma_wait3A_23] : memref<1000x128xf32, #tpu.memory_space<hbm>> -> memref<1000x128xf32, #tpu.memory_space<hbm>>
    tpu.wait_indirect_dma semaphore(%arg15 : memref<!tpu.dma_semaphore, #tpu.memory_space<semaphore_mem>>) src(%dma_wait3A_24 : memref<1000x128xf32, #tpu.memory_space<hbm>>) dst(%arg11 : memref<32x128xf32, #tpu.memory_space<vmem>>)
    %dma_start3A_25 = arith.constant 0 : i32
    %dma_start3A_26 = tpu.memref_slice %arg7[%mul3A_2, %dma_start3A_25] : memref<1024x128xf32, #tpu.memory_space<hbm>> -> memref<32x128xf32, #tpu.memory_space<hbm>>
    %dma_start3A_27 = arith.constant 0 : i32
    %dma_start3A_28 = tpu.memref_slice %arg7[%mul3A_2, %dma_start3A_27] : memref<1024x128xf32, #tpu.memory_space<hbm>> -> memref<32x128xf32, #tpu.memory_space<hbm>>
    tpu.enqueue_dma source(%arg11 : memref<32x128xf32, #tpu.memory_space<vmem>>) target(%dma_start3A_28 : memref<32x128xf32, #tpu.memory_space<hbm>>) target_semaphore(%arg16 : memref<!tpu.dma_semaphore, #tpu.memory_space<semaphore_mem>>)
    %dma_wait3A_29 = arith.constant 0 : i32
    %dma_wait3A_30 = tpu.memref_slice %arg6[%mul3A_2, %dma_wait3A_29] : memref<1024x128xf32, #tpu.memory_space<hbm>> -> memref<32x128xf32, #tpu.memory_space<hbm>>
    %dma_wait3A_31 = arith.constant 0 : i32
    %dma_wait3A_32 = tpu.memref_slice %arg6[%mul3A_2, %dma_wait3A_31] : memref<1024x128xf32, #tpu.memory_space<hbm>> -> memref<32x128xf32, #tpu.memory_space<hbm>>
    tpu.wait_dma2 semaphore(%arg16 : memref<!tpu.dma_semaphore, #tpu.memory_space<semaphore_mem>>) src(%arg9 : memref<32x128xf32, #tpu.memory_space<vmem>>) dst(%dma_wait3A_32 : memref<32x128xf32, #tpu.memory_space<hbm>>)
    %dma_wait3A_33 = arith.constant 0 : i32
    %dma_wait3A_34 = tpu.memref_slice %arg7[%mul3A_2, %dma_wait3A_33] : memref<1024x128xf32, #tpu.memory_space<hbm>> -> memref<32x128xf32, #tpu.memory_space<hbm>>
    %dma_wait3A_35 = arith.constant 0 : i32
    %dma_wait3A_36 = tpu.memref_slice %arg7[%mul3A_2, %dma_wait3A_35] : memref<1024x128xf32, #tpu.memory_space<hbm>> -> memref<32x128xf32, #tpu.memory_space<hbm>>
    tpu.wait_dma2 semaphore(%arg16 : memref<!tpu.dma_semaphore, #tpu.memory_space<semaphore_mem>>) src(%arg11 : memref<32x128xf32, #tpu.memory_space<vmem>>) dst(%dma_wait3A_36 : memref<32x128xf32, #tpu.memory_space<hbm>>)
    return
  }
}

module attributes {stable_mosaic.version = 14 : i64} {
  func.func @_add_body(%arg0: i32, %arg1: memref<32x128x512xf32, #tpu.memory_space<vmem>>, %arg2: memref<32x128xf32, #tpu.memory_space<vmem>>, %arg3: memref<32x128xf32, #tpu.memory_space<vmem>>, %arg4: memref<32x128x512xf32, #tpu.memory_space<vmem>>) attributes {dimension_semantics = [#tpu.dimension_semantics<arbitrary>], iteration_bounds = array<i64: 32>, scalar_prefetch = 0 : i64, scratch_operands = 0 : i64, tpu.core_type = #tpu.core_type<tc>, window_params = [{transform_indices = @transform_0, window_bounds = array<i64: 32, 128, 512>}, {transform_indices = @transform_1, window_bounds = array<i64: 32, 128>}, {transform_indices = @transform_2, window_bounds = array<i64: 32, 128>}, {transform_indices = @transform_3, window_bounds = array<i64: 32, 128, 512>}]} {
    %get3A = arith.constant 0 : index
    %get3A_0 = arith.constant 0 : index
    %get3A_1 = vector.load %arg2[%get3A, %get3A_0] : memref<32x128xf32, #tpu.memory_space<vmem>>, vector<32x128xf32>
    %get3A_2 = arith.constant 0 : index
    %get3A_3 = arith.constant 0 : index
    %get3A_4 = vector.load %arg3[%get3A_2, %get3A_3] : memref<32x128xf32, #tpu.memory_space<vmem>>, vector<32x128xf32>
    %add3A = arith.addf %get3A_1, %get3A_4 : vector<32x128xf32>
    %get3A_5 = arith.constant 0 : index
    %get3A_6 = arith.constant 0 : index
    %get3A_7 = arith.constant 0 : index
    %get3A_8 = vector.load %arg1[%get3A_5, %get3A_6, %get3A_7] : memref<32x128x512xf32, #tpu.memory_space<vmem>>, vector<32x128x512xf32>
    %broadcast_in_dim3A = vector.shape_cast %add3A : vector<32x128xf32> to vector<32x128x1xf32>
    %add3A_9 = vector.broadcast %broadcast_in_dim3A : vector<32x128x1xf32> to vector<32x128x512xf32>
    %add3A_10 = arith.addf %get3A_8, %add3A_9 : vector<32x128x512xf32>
    %swap3A = arith.constant 0 : index
    %swap3A_11 = arith.constant 0 : index
    %swap3A_12 = arith.constant 0 : index
    %swap3A_13 = vector.load %arg4[%swap3A, %swap3A_11, %swap3A_12] : memref<32x128x512xf32, #tpu.memory_space<vmem>>, vector<32x128x512xf32>
    tpu.vector_store %arg4[%swap3A, %swap3A_11, %swap3A_12], %add3A_10 {strides = array<i32>} : memref<32x128x512xf32, #tpu.memory_space<vmem>>, vector<32x128x512xf32>,
    return
  }
  func.func @transform_0(%arg0: i32) -> (i32, i32, i32) {
    %c0_i32 = arith.constant 0 : i32
    %c0_i32_0 = arith.constant 0 : i32
    %c0_i32_1 = arith.constant 0 : i32
    return %arg0, %c0_i32, %c0_i32_0 : i32, i32, i32
  }
  func.func @transform_1(%arg0: i32) -> (i32, i32) {
    %c0_i32 = arith.constant 0 : i32
    %c0_i32_0 = arith.constant 0 : i32
    return %arg0, %c0_i32 : i32, i32
  }
  func.func @transform_2(%arg0: i32) -> (i32, i32) {
    %c0_i32 = arith.constant 0 : i32
    %c0_i32_0 = arith.constant 0 : i32
    return %arg0, %c0_i32 : i32, i32
  }
  func.func @transform_3(%arg0: i32) -> (i32, i32, i32) {
    %c0_i32 = arith.constant 0 : i32
    %c0_i32_0 = arith.constant 0 : i32
    %c0_i32_1 = arith.constant 0 : i32
    return %arg0, %c0_i32, %c0_i32_0 : i32, i32, i32
  }
}

</mosaic_0001>

<sc_bundles>
// kernel: kernel.4.cloned.1.call-start
scs
__scs_entry_jumppad:
0x0: {  	(pc) =	sbr.rel $0x88, $3  }
0x1: {  	(tag) =	ssettag $0x0;
	lr =	simm.s32 $0x1  }
0x2: {  	[smem:$0x3F9C] =	sst lr;
	_ =	strace $0xD0000000  }
0x3: {  	_ = 	snop  }
0x4: {  	_ = 	snop  }
0x5: {  	_ = 	snop  }
0x6: {  	_ = 	snop  }
0x7: {  	_ = 	snop  }
__scs_overlays_trampoline_lowered:
0x8: {  	[smem:$0x3FAB] =	sst s0  }
0x9: {  	[smem:$0x3FAC] =	sst s1  }
0xa: {  	[smem:$0x3FAD] =	sst s2  }
0xb: {  	[smem:$0x3FAE] =	sst s3  }
0xc: {  	[smem:$0x3FAF] =	sst s4  }
0xd: {  	[smem:$0x3FB0] =	sst s5  }
0xe: {  	[smem:$0x3FB1] =	sst s6  }
0xf: {  	[smem:$0x3FB2] =	sst s7  }
0x10: {  	[smem:$0x3FB3] =	sst s8  }
0x11: {  	[smem:$0x3FB4] =	sst s9;
	s0 =	simm.s32 @!p0 $0x0  }
0x12: {  	s1 =	sld [smem:$0x3F9A];
	s0 =	simm.s32 @p0 $0x1  }
0x13: {  	[smem:$0x3FB5] =	sst s0;
	s0 =	simm.s32 @!p1 $0x0  }
0x14: {  	s2 =	sld [smem:$0x3F99];
	s0 =	simm.s32 @p1 $0x1  }
0x15: {  	[smem:$0x3FB6] =	sst s0;
	s0 =	simm.s32 @!p2 $0x0  }
0x16: {  	s3 =	sld [smem:$0x3FDB];
	s0 =	simm.s32 @p2 $0x1  }
0x17: {  	s4 =	simm.s32 $0x1BF5;
	[smem:$0x3FB8] =	sst s0  }
0x18: {  	s0 =	sld [smem:$0x3F9B];
	_ =	swait.ge [sflag:s4], $0x0  }
0x19: {  	s7 =	sld [smem:$0x3F9C]  }
0x1a: {  	s8 =	sadd.s32 $0xFFFFE003, lr  }
0x1b: {  	s9 =	sadd.s32 $0xFFFFFEF7, lr;
	s5 =	simm.s32 $0xFFFFFFFF;
	p2 =	slt.u32 s8, $0xFFFFF086  }
0x1c: {  	p1 =	slt.u32 s9, $0xF7A;
	s5 =	simm.s32 @!p2 $0x0  }
0x1d: {  	s5 =	simm.s32 @p1 $0x1;
	p0 =	seq.s32 s7, s2  }
0x1e: {  	s7 =	smul.u32 @!p0 $0xF7A, s2;
	p2 =	seq.s32 @!p0 s5, $0x0  }
0x1f: {  	s9 =	smul.u32 $0xF7A, s1;
	s8 =	simm.s32 @!p0 $0x1BF5;
	p2 =	por !p2, p0  }
0x20: {  	[sflag:s8] =	ssyncset.s32 @!p0 $0xFFFFF086;
	s6 =	sadd.s32 @!p0 s3, s7;
	s7 =	simm.s32 @!p0 $0x108  }
0x21: {  	s3 =	sadd.s32 s3, s9;
	s6 =	sadd.s32 @!p0 $0x88, s6;
	s7 =	simm.s32 @p2 $0x1082  }
0x22: {  	[simem:s7], [sflag:s8] =	dma.local @!p0 [hbm:s6], $0xF7A  }
0x23: {  	s9 =	sor.u32 $0xD0000000, s2;
	s6 =	simm.s32 $0x108;
	_ =	swait.ge @!p0 [sflag:s8], $0x0  }
0x24: {  	s3 =	sadd.s32 $0x88, s3;
	s6 =	simm.s32 @!p1 $0x1082;
	[sflag:s4] =	ssyncset.s32 $0xFFFFF086  }
0x25: {  	[simem:s6], [sflag:s4] =	dma.local [hbm:s3], $0xF7A  }
0x26: {  	[smem:$0x3F9C] =	sst s1;
	(tag) =	ssettag s2;
	_ =	strace s9  }
0x27: {  	s1 =	sld [smem:$0x3FAC]  }
0x28: {  	s2 =	sld [smem:$0x3FAD]  }
0x29: {  	s4 =	sld [smem:$0x3FAF]  }
0x2a: {  	p0 =	seq.s32 s5, $0x0;
	s5 =	sld [smem:$0x3FB0]  }
0x2b: {  	s6 =	sld [smem:$0x3FB1]  }
0x2c: {  	s7 =	sld [smem:$0x3FB2]  }
0x2d: {  	s3 =	simm.s32 $0x108;
	s8 =	sld [smem:$0x3FB3]  }
0x2e: {  	s3 =	simm.s32 @!p0 $0x1082;
	s9 =	sld [smem:$0x3FB4]  }
0x2f: {  	lr =	sadd.s32 s0, s3;
	s0 =	sld [smem:$0x3FAB]  }
0x30: {  	s3 =	sld [smem:$0x3FAE]  }
0x31: {  	[smem:$0x3FB7] =	sst s10  }
0x32: {  	s10 =	sld [smem:$0x3FB5];
	_ =	sdelay $0x3  }
0x33: {  	p0 =	seq.s32 s10, $0x1;
	s10 =	sld [smem:$0x3FB7];
	_ =	sdelay $0x3  }
0x34: {  	[smem:$0x3FB7] =	sst s10  }
0x35: {  	s10 =	sld [smem:$0x3FB6];
	_ =	sdelay $0x3  }
0x36: {  	p1 =	seq.s32 s10, $0x1;
	s10 =	sld [smem:$0x3FB7];
	_ =	sdelay $0x3  }
0x37: {  	[smem:$0x3FB7] =	sst s10  }
0x38: {  	s10 =	sld [smem:$0x3FB8]  }
0x39: {  	_ = 	snop;
	(pc) =	sbr.ind lr, $3  }
0x3a: {  	_ = 	snop  }
0x3b: {  	_ = 	snop  }
0x3c: {  	p2 =	seq.s32 s10, $0x1;
	s10 =	sld [smem:$0x3FB7]  }
0x3d: {  	_ =	shalt  }
0x3e: {  	_ =	shalt  }
0x3f: {  	_ =	shalt  }
0x40: {  	_ =	shalt  }
0x41: {  	_ =	shalt  }
0x42: {  	_ =	shalt  }
0x43: {  	_ =	shalt  }
0x44: {  	_ =	shalt  }
0x45: {  	_ =	shalt  }
0x46: {  	_ =	shalt  }
0x47: {  	_ =	shalt  }
0x48: {  	_ =	shalt  }
0x49: {  	_ =	shalt  }
0x4a: {  	_ =	shalt  }
0x4b: {  	_ =	shalt  }
0x4c: {  	_ =	shalt  }
0x4d: {  	_ =	shalt  }
0x4e: {  	_ =	shalt  }
0x4f: {  	_ =	shalt  }
0x50: {  	_ =	shalt  }
0x51: {  	_ =	shalt  }
0x52: {  	_ =	shalt  }
0x53: {  	_ =	shalt  }
0x54: {  	_ =	shalt  }
0x55: {  	_ =	shalt  }
0x56: {  	_ =	shalt  }
0x57: {  	_ =	shalt  }
0x58: {  	_ =	shalt  }
0x59: {  	_ =	shalt  }
0x5a: {  	_ =	shalt  }
0x5b: {  	_ =	shalt  }
0x5c: {  	_ =	shalt  }
0x5d: {  	_ =	shalt  }
0x5e: {  	_ =	shalt  }
0x5f: {  	_ =	shalt  }
0x60: {  	_ =	shalt  }
0x61: {  	_ =	shalt  }
0x62: {  	_ =	shalt  }
0x63: {  	_ =	shalt  }
0x64: {  	_ =	shalt  }
0x65: {  	_ =	shalt  }
0x66: {  	_ =	shalt  }
0x67: {  	_ =	shalt  }
0x68: {  	_ =	shalt  }
0x69: {  	_ =	shalt  }
0x6a: {  	_ =	shalt  }
0x6b: {  	_ =	shalt  }
0x6c: {  	_ =	shalt  }
0x6d: {  	_ =	shalt  }
0x6e: {  	_ =	shalt  }
0x6f: {  	_ =	shalt  }
0x70: {  	_ =	shalt  }
0x71: {  	_ =	shalt  }
0x72: {  	_ =	shalt  }
0x73: {  	_ =	shalt  }
0x74: {  	_ =	shalt  }
0x75: {  	_ =	shalt  }
0x76: {  	_ =	shalt  }
0x77: {  	_ =	shalt  }
0x78: {  	_ =	shalt  }
0x79: {  	_ =	shalt  }
0x7a: {  	_ =	shalt  }
0x7b: {  	_ =	shalt  }
0x7c: {  	_ =	shalt  }
0x7d: {  	_ =	shalt  }
0x7e: {  	_ =	shalt  }
0x7f: {  	_ =	shalt  }
0x80: {  	_ =	shalt  }
0x81: {  	_ =	shalt  }
0x82: {  	_ =	shalt  }
0x83: {  	_ =	shalt  }
0x84: {  	_ =	shalt  }
0x85: {  	_ =	shalt  }
0x86: {  	_ =	shalt  }
0x87: {  	_ =	shalt  }
.Lfunc_end0:
.L_simem_size_0:
called_computation_lowered:
.L_overlay_start_0:
0x88: {  	s2 =	sld [smem:$0x3FD9]  }
0x89: {  	s3 =	sld [smem:$0x3FFE];
	_ =	sdelay $0x1  }
0x8a: {  	s1 =	srdreg.scid  }
0x8b: {  	s0 =	sand.u32 $0x1, s1  }
0x8c: {  	s17 =	sshll.u32 s0, $0xA;
	s2 =	sadd.s32 s3, s2  }
0x8d: {  	s2 =	sadd.s32 s2, s17  }
0x8e: {  	[smem:$0x3FC3] =	sst s2  }
0x8f: {  	_ = 	snop  }
0x90: {  	s2 =	sld [smem:$0x3FC8]  }
0x91: {  	s18 =	sld [smem:$0x3FC7]  }
0x92: {  	s4 =	sld [smem:$0x3FC6]  }
0x93: {  	s5 =	sld [smem:$0x3FC5]  }
0x94: {  	s6 =	sld [smem:$0x3FD0];
	(tm) =	ssettm $0x1  }
0x95: {  	s7 =	sld [smem:$0x3FFB];
	_ =	sdelay $0x3  }
0x96: {  	_ =	strace s7  }
0x97: {  	s7 =	sld [smem:$0x3FFC];
	_ =	sdelay $0x3  }
0x98: {  	_ =	strace s7  }
0x99: {  	s7 =	sld [smem:$0x3FFD];
	_ =	sdelay $0x3  }
0x9a: {  	_ =	strace s7  }
0x9b: {  	_ =	strace $0x8FFFFFFF  }
0x9c: {  	s19 =	sld [smem:$0x3FDB];
	_ =	sdelay $0x1  }
0x9d: {  	s8 =	simm.s32 $_scs_section_size  }
0x9e: {  	s9 =	simm.s32 $_size__tile_overlayer_lowered;
	s10 =	simm.s32 $_tile_overlayer_lowered  }
0x9f: {  	s22 =	simm.s32 $0x1BFF;
	s21 =	sshll.u32 s10, $0x1;
	s7 =	sadd.s32 s8, s19  }
0xa0: {  	s11 =	simm.s32 $0x0;
	s20 =	sshll.u32 s9, $0x1;
	s9 =	sadd.s32 s21, s7  }
0xa1: {  	[timem:s11], [sflag:s22] =	dma.local [hbm:s9], s20  }
0xa2: {  	_ =	swait.ge [sflag:s22], s20  }
0xa3: {  	s8 =	ssub.s32 $0x0, s20;
	[sflag:s22] =	ssyncset.done $0x0  }
0xa4: {  	[sflag:s22] =	ssyncadd.s32 s8;
	_ =	sdelay $0x1  }
0xa5: {  	s23 =	simm.s32 $0x1B8B  }
0xa6: {  	_ =	swait.ge [sflag:s23], $0x1  }
0xa7: {  	[sflag:s23] =	ssyncset.done $0x0  }
0xa8: {  	s25 =	simm.s32 $0x1B8E;
	s24 =	sld [smem:$0x3FFE];
	[sflag:s23] =	ssyncadd.s32 $0xFFFFFFFF  }
0xa9: {  	s26 =	simm.s32 $execute0_lowered;
	[smem:$0x3FD2] =	sst s25  }
0xaa: {  	s9 =	sshll.u32 s26, $0x1;
	_ =	strace $0x80000046;
	[dreg:$0x1] =	wrdreg $0xFFFFFFFF  }
0xab: {  	s28 =	simm.s32 $_size_execute0_lowered;
	s7 =	sadd.s32 s7, s9;
	[dreg:$0x0] =	wrdreg $0x0  }
0xac: {  	s9 =	sshll.u32 s28, $0x1;
	[dreg:$0x2] =	wrdreg s7  }
0xad: {  	[dreg:$0x3] =	wrdreg s9  }
0xae: {  	[dreg:$0x4] =	wrdreg $0xC0  }
0xaf: {  	_ =	task [dreg:s11], $0x5FFFF  }
0xb0: {  	[dreg:$0x1] =	wrdreg $0xFFFFFFFF  }
0xb1: {  	[dreg:$0x0] =	wrdreg $0x60  }
0xb2: {  	[dreg:$0x2] =	wrdreg s2  }
0xb3: {  	[dreg:$0x3] =	wrdreg s18  }
0xb4: {  	[dreg:$0x4] =	wrdreg s4  }
0xb5: {  	[dreg:$0x5] =	wrdreg s5  }
0xb6: {  	[dreg:$0x6] =	wrdreg s6  }
0xb7: {  	[dreg:$0x7] =	wrdreg s24  }
0xb8: {  	[dreg:$0x8] =	wrdreg $0x9  }
0xb9: {  	_ =	task.clear_ibuf [dreg:s11], $0x9FFFF;
	_ =	strace $0x90000046  }
0xba: {  	s29 =	simm.s32 $0x9;
	_ =	strace $0x80000048  }
0xbb: {  	_ =	swait.ge [sflag:s29], $0x1  }
0xbc: {  	[sflag:s29] =	ssyncadd.s32 $0xFFFFFFFF  }
0xbd: {  	_ =	strace $0x90000048  }
0xbe: {  	_ =	sfence  }
0xbf: {  	s30 =	sld [smem:$0x0];
	_ =	sdelay $0x2  }
0xc0: {  	s31 =	sshll.u32 s1, $0xD;
	s1 =	sshrl.u32 s1, $0x2  }
0xc1: {  	s3 =	sand.u32 $0x4000, s31;
	s1 =	sadd.s32 s1, s30  }
0xc2: {  	s0 =	sor.u32 s3, s0;
	s1 =	sshll.u32 s1, $0x11  }
0xc3: {  	s0 =	sor.u32 s1, s0  }
0xc4: {  	s0 =	sadd.s32 $0x8F2B, s0  }
0xc5: {  	[sflag:s0] =	ssyncadd.remote.s32 $0x1  }
0xc6: {  	_ =	sfence.sel $0xFFFF  }
0xc7: {  	[dreg:$0x0] =	wrdreg $0xFFFFFFFF;
	(pc) =	sbr.abs _section_cstart, $3  }
0xc8: {  	[dreg:$0x1] =	wrdreg $0xFFFFFFFF  }
0xc9: {  	_ =	task.clear_ibuf [dreg:s11], $0x2FFFF;
	_ =	strace $0x9FFFFFFF  }
0xca: {  	(tm) =	ssettm $0x7FFFFFFF  }
0xcb: {  	_ =	shalt  }
tec
execute0_lowered:
.L_overlay_start_1:
0x0: {  	(tag) =	ssettag $0x1  }
0x1: {  	s5 =	rddreg [dreg:$0x0]  }
0x2: {  	s6 =	rddreg [dreg:$0x1]  }
0x3: {  	s1 =	rddreg [dreg:$0x2];
	s3 =	srdreg.scid  }
0x4: {  	s2 =	rddreg [dreg:$0x3];
	s0 =	stileid.u32;
	s16 =	sand.u32 $0x1, s3  }
0x5: {  	s14 =	rddreg [dreg:$0x4];
	s7 =	sshll.u32 s0, $0x6;
	s8 =	sshll.u32 s16, $0x5  }
0x6: {  	s17 =	rddreg [dreg:$0x5];
	s4 =	simm.s32 $0x0;
	s15 =	sor.u32 s8, s7  }
0x7: {  	[smem:$0x7FF] =	sst s4;
	s7 =	sshrl.u32 s15, $0x3  }
0x8: {  	s3 =	rddreg [dreg:$0x6];
	_ =	strace $0x80000047;
	s5 =	sadd.s32 s5, s7  }
0x9: {  	[tilespmem:s4], [sflag:$0x1] =	stream.linear.gather [hbm4b:s5+s4], $0x20, $0x38;
	[tilespmem:$0x2100] =	vst v63  }
0xa: {  	s8 =	simm.s32 $0x1;
	s6 =	sadd.s32 s6, s7;
	s7 =	simm.s32 $0x1080  }
0xb: {  	[tilespmem:s7], [sflag:$0x2] =	stream.linear.gather [hbm4b:s6+s4], $0x20, $0x38;
	[tilespmem:$0x2100] =	vst v63  }
0xc: {  	_ =	swait.ge [sflag:s8], $0x20  }
0xd: {  	s9 =	simm.s32 $0x20;
	[sflag:s8] =	ssyncset.done $0x0  }
0xe: {  	s10 =	simm.s32 $0x80;
	s11 =	simm.s32 $0x2;
	[sflag:s8] =	ssyncadd.s32 $0xFFFFFFE0  }
0xf: {  	[tilespmem:s10], [sflag:$0x3] =	stream.indirect.gather [hbm4b:s1+s9], $0x80, s4, s9, $0xb8;
	[tilespmem:$0x2100] =	vst v63  }
0x10: {  	_ =	swait.ge [sflag:s11], $0x20  }
0x11: {  	[sflag:s11] =	ssyncset.done $0x0  }
0x12: {  	s12 =	simm.s32 $0x1100;
	s13 =	simm.s32 $0x3;
	[sflag:s11] =	ssyncadd.s32 $0xFFFFFFE0  }
0x13: {  	[tilespmem:s12], [sflag:$0x4] =	stream.indirect.gather [hbm4b:s2+s9], $0x80, s7, s9, $0xb8;
	[tilespmem:$0x2100] =	vst v63  }
0x14: {  	s31 =	ssub.s32 $0x2, s16;
	_ =	swait.ge [sflag:s13], $0x1000  }
0x15: {  	s19 =	sshrl.u32 s31, $0x1;
	s18 =	sshll.u32 s15, $0x4;
	[sflag:s13] =	ssyncset.done $0x0  }
0x16: {  	s15 =	simm.s32 $0x4;
	s14 =	sadd.s32 s14, s18;
	[sflag:s13] =	ssyncadd.s32 $0xFFFFF000  }
0x17: {  	[hbm4b:s14+s4] =	stream.linear.scatter [tilespmem:s10], [sflag:$0x5], $0x1000, $0x38;
	[tilespmem:$0x2100] =	vst v63  }
0x18: {  	s17 =	sadd.s32 s18, s17;
	s18 =	ssub.s32 s31, s19;
	_ =	swait.ge [sflag:s15], $0x1000  }
0x19: {  	s16 =	simm.s32 $0x5;
	s18 =	smax.u32 s18, $0x1;
	[sflag:s15] =	ssyncset.done $0x0  }
0x1a: {  	s17 =	sadd.s32 $0xC00, s17;
	p0 =	sne.s32 s18, $0x1;
	[sflag:s15] =	ssyncadd.s32 $0xFFFFF000  }
0x1b: {  	[hbm4b:s17+s4] =	stream.linear.scatter [tilespmem:s12], [sflag:$0x5], $0x1000, $0x38;
	[tilespmem:$0x2100] =	vst v63  }
.Ltmp0:
0x1c: {  	_ =	swait.ge [sflag:s16], $0x1000;
	(pc) =	sbr.rel @!p0 .LBB2_2-.Ltmp0, $4  }
0x1d: {  	[sflag:s16] =	ssyncset.done $0x0  }
0x1e: {  	[sflag:s16] =	ssyncadd.s32 $0xFFFFF000  }
0x1f: {  	_ =	swait.ge [sflag:s16], $0x1000  }
0x20: {  	s18 =	sadd.s32 $0xFFFFFFFF, s18;
	[sflag:s16] =	ssyncset.done $0x0  }
.LBB2_1:
0x21: {  	p0 =	sne.s32 s18, $0x1;
	s18 =	sadd.s32 $0xFFFFFFFF, s18;
	[sflag:s16] =	ssyncadd.s32 $0xFFFFF000  }
0x22: {  	[tilespmem:s4], [sflag:$0x1] =	stream.linear.gather [hbm4b:s5+s4], $0x20, $0x38;
	[tilespmem:$0x2100] =	vst v63  }
0x23: {  	_ = 	snop  }
0x24: {  	[tilespmem:s7], [sflag:$0x2] =	stream.linear.gather [hbm4b:s6+s4], $0x20, $0x38;
	[tilespmem:$0x2100] =	vst v63  }
0x25: {  	_ =	swait.ge [sflag:s8], $0x20  }
0x26: {  	[sflag:s8] =	ssyncset.done $0x0  }
0x27: {  	[sflag:s8] =	ssyncadd.s32 $0xFFFFFFE0  }
0x28: {  	[tilespmem:s10], [sflag:$0x3] =	stream.indirect.gather [hbm4b:s1+s9], $0x80, s4, s9, $0xb8;
	[tilespmem:$0x2100] =	vst v63  }
0x29: {  	_ =	swait.ge [sflag:s11], $0x20  }
0x2a: {  	[sflag:s11] =	ssyncset.done $0x0  }
0x2b: {  	[sflag:s11] =	ssyncadd.s32 $0xFFFFFFE0  }
0x2c: {  	[tilespmem:s12], [sflag:$0x4] =	stream.indirect.gather [hbm4b:s2+s9], $0x80, s7, s9, $0xb8;
	[tilespmem:$0x2100] =	vst v63  }
0x2d: {  	_ =	swait.ge [sflag:s13], $0x1000  }
0x2e: {  	[sflag:s13] =	ssyncset.done $0x0  }
0x2f: {  	[sflag:s13] =	ssyncadd.s32 $0xFFFFF000  }
0x30: {  	[hbm4b:s14+s4] =	stream.linear.scatter [tilespmem:s10], [sflag:$0x5], $0x1000, $0x38;
	[tilespmem:$0x2100] =	vst v63  }
0x31: {  	_ =	swait.ge [sflag:s15], $0x1000  }
0x32: {  	[sflag:s15] =	ssyncset.done $0x0  }
0x33: {  	[sflag:s15] =	ssyncadd.s32 $0xFFFFF000  }
0x34: {  	[hbm4b:s17+s4] =	stream.linear.scatter [tilespmem:s12], [sflag:$0x5], $0x1000, $0x38;
	[tilespmem:$0x2100] =	vst v63  }
.Ltmp1:
0x35: {  	_ =	swait.ge [sflag:s16], $0x1000;
	(pc) =	sbr.rel @p0 .LBB2_1-.Ltmp1, $4  }
0x36: {  	[sflag:s16] =	ssyncset.done $0x0  }
0x37: {  	[sflag:s16] =	ssyncadd.s32 $0xFFFFF000  }
0x38: {  	_ =	swait.ge [sflag:s16], $0x1000  }
0x39: {  	[sflag:s16] =	ssyncset.done $0x0  }
.LBB2_2:
0x3a: {  	[sflag:s16] =	ssyncadd.s32 $0xFFFFF000  }
0x3b: {  	_ =	sfence.sel $0x180000  }
0x3c: {  	[bflag:$0x0] =	sbarrier.arrive $0xFFFF  }
0x3d: {  	p0 =	sne.s32 s0, $0x0;
	_ =	strace $0x90000047  }
0x3e: {  	s0 =	sadd.s32 @!p0 $0x100000, s3;
	[bflag:$0x2] =	sbarrier.arrive $0xFFFF  }
0x3f: {  	[sflag:s0] =	ssyncadd.tile.s32 @!p0 $0x1;
	_ =	shalt  }
.Lfunc_end2:
_tile_overlayer_lowered:
.L_overlay_start_2:
0x40: {  	(tag) =	ssettag $0x2  }
0x41: {  	s0 =	rddreg [dreg:$0x0];
	s2 =	stileid.u32  }
0x42: {  	s1 =	rddreg [dreg:$0x1];
	p0 =	sne.s32 s2, $0x0  }
0x43: {  	s3 =	rddreg [dreg:$0x2];
	[bflag:$0x3] =	sbarrier.arrive $0xFFFF;
	s2 =	simm.s32 @!p0 $0x1C06  }
0x44: {  	[timem:s3], [sflag:s2] =	dma.local @!p0 [hbm:s0], s1  }
0x45: {  	s0 =	simm.s32 @!p0 $0x6  }
0x46: {  	_ =	swait.ge @!p0 [sflag:s0], s1  }
0x47: {  	s1 =	ssub.s32 @!p0 $0x0, s1;
	[sflag:s0] =	ssyncset.done @!p0 $0x0  }
0x48: {  	[sflag:s0] =	ssyncadd.s32 @!p0 s1  }
0x49: {  	[bflag:$0x3] =	sbarrier.arrive $0xFFFF  }
0x4a: {  	_ =	shalt  }

</sc_bundles>
